<compile_context>
chip_gen: v7x
topology: tpu7x:2x2x1
jax: 0.10.2.dev20260603
libtpu: 0.0.44.dev20260713+nightly
codegen_flags: <defaults>
</compile_context>

<pallas_src>
import jax
import jax.numpy as jnp
from jax import lax
from jax.experimental import pallas as pl
from jax.experimental.pallas import tpu as pltpu
from jax.experimental.pallas import tpu_sc as plsc

D_MODEL = 2048
B_TOTAL = 4 * 8192
NUM_CORES = 2
NUM_SUBCORES = 16
NW = NUM_CORES * NUM_SUBCORES
B_PER_W = B_TOTAL // NW
CHUNK = 16
NCH = B_PER_W // CHUNK


def _gather_body(idx_hbm, table_hbm, out_hbm, idx_v, buf0, buf1, g0, g1, osem):
    wid = lax.axis_index("s") * NUM_CORES + lax.axis_index("c")
    chunk0 = wid * NCH
    pltpu.sync_copy(idx_hbm.at[pl.ds(chunk0, NCH)], idx_v)

    def gstart(j, buf, sem):
        pltpu.async_copy(table_hbm.at[idx_v.at[j]], buf, sem)

    def gwait(j, buf, sem):
        pltpu.make_async_copy(table_hbm.at[idx_v.at[j]], buf, sem).wait()

    def out(j, buf):
        pltpu.async_copy(buf, out_hbm.at[pl.ds((chunk0 + j) * CHUNK, CHUNK)],
                         osem).wait()

    gstart(0, buf0, g0)
    gstart(1, buf1, g1)

    def body(i, carry):
        j0 = 2 * i
        gwait(j0, buf0, g0)
        out(j0, buf0)
        gstart(j0 + 2, buf0, g0)
        j1 = j0 + 1
        gwait(j1, buf1, g1)
        out(j1, buf1)
        gstart(j1 + 2, buf1, g1)
        return carry

    lax.fori_loop(0, NCH // 2 - 1, body, 0)

    gwait(NCH - 2, buf0, g0)
    out(NCH - 2, buf0)
    gwait(NCH - 1, buf1, g1)
    out(NCH - 1, buf1)


@jax.jit
def _run(idx2d, table):
    return pl.kernel(
        _gather_body,
        out_type=jax.ShapeDtypeStruct((B_TOTAL, D_MODEL), jnp.float32),
        mesh=plsc.VectorSubcoreMesh(core_axis_name="c", subcore_axis_name="s"),
        scratch_types=[
            pltpu.VMEM((NCH, CHUNK), jnp.int32),
            pltpu.VMEM((CHUNK, D_MODEL), jnp.float32),
            pltpu.VMEM((CHUNK, D_MODEL), jnp.float32),
            pltpu.SemaphoreType.DMA,
            pltpu.SemaphoreType.DMA,
            pltpu.SemaphoreType.DMA,
        ],
    )(idx2d, table)


def kernel(thought_ids, thought_embeddings):
    batch_shape = thought_ids.shape
    idx2d = jnp.asarray(thought_ids, jnp.int32).reshape(B_TOTAL // CHUNK, CHUNK)
    out = _run(idx2d, thought_embeddings)
    return out.reshape(*batch_shape, D_MODEL)

# --- scband reference (transcript-rebuilt; emitter-appended) ---
"""Pipeline reference for scband-thought-token-embedding-77051713290527 (READ-ONLY COPY).

The authoritative reference and input builder live on the scoring server;
editing this copy changes nothing except your own understanding.
"""

import jax, jax.numpy as jnp
import numpy as np

N_THOUGHT_TOKENS = 100000
D_MODEL = 2048
BATCH = 4
SEQ_LEN = 8192


def setup_inputs(seed: int = 0) -> dict:
    key = jax.random.key(seed)
    k_ids, k_tab = jax.random.split(key)
    thought_ids = jax.random.randint(k_ids, (BATCH, SEQ_LEN), 0, N_THOUGHT_TOKENS, dtype=jnp.int64 if jax.config.jax_enable_x64 else jnp.int32)
    thought_embeddings = jax.random.normal(k_tab, (N_THOUGHT_TOKENS, D_MODEL), dtype=jnp.float32)
    return {"thought_ids": thought_ids, "thought_embeddings": thought_embeddings}


def reference(thought_ids, thought_embeddings):
    # nn.Embedding forward: row gather from the embedding table
    return jnp.take(thought_embeddings, thought_ids, axis=0)

if __name__ == "__main__":
    import jax
    _d = setup_inputs()
    print(jax.jit(kernel)(*tuple(_d.values())))

</pallas_src>

<mosaic_0001>
#map = affine_map<(d0, d1) -> (0, 0)>
module attributes {stable_mosaic.version = 14 : i64} {
  func.func @_gather_body(%arg0: i32, %arg1: i32, %arg2: memref<2048x16xi32, #tpu.memory_space<hbm>>, %arg3: memref<100000x2048xf32, #tpu.memory_space<hbm>>, %arg4: memref<32768x2048xf32, #tpu.memory_space<hbm>>, %arg5: memref<64x16xi32, #tpu.memory_space<vmem>>, %arg6: memref<16x2048xf32, #tpu.memory_space<vmem>>, %arg7: memref<16x2048xf32, #tpu.memory_space<vmem>>, %arg8: memref<!tpu.dma_semaphore, #tpu.memory_space<semaphore_mem>>, %arg9: memref<!tpu.dma_semaphore, #tpu.memory_space<semaphore_mem>>, %arg10: memref<!tpu.dma_semaphore, #tpu.memory_space<semaphore_mem>>) attributes {dimension_semantics = [#tpu.dimension_semantics<core_parallel>, #tpu.dimension_semantics<subcore_parallel>], iteration_bounds = array<i64: 2, 16>, scalar_prefetch = 0 : i64, scratch_operands = 6 : i64, tpu.core_type = #tpu.core_type<sc_vector_subcore>, window_params = [{transform_indices = #map}, {transform_indices = #map}, {transform_indices = #map}]} {
    %mul3A = arith.constant 2 : i32
    %mul3A_0 = arith.muli %arg1, %mul3A : i32
    %add3A = arith.addi %mul3A_0, %arg0 : i32
    %mul3A_1 = arith.constant 64 : i32
    %mul3A_2 = arith.muli %add3A, %mul3A_1 : i32
    "tpu.region"() ({
      %run_scoped3A = tpu.sem_alloc : memref<!tpu.dma_semaphore, #tpu.memory_space<semaphore_mem>>
      %dma_start3A_58 = arith.constant 0 : i32
      %dma_start3A_59 = tpu.memref_slice %arg2[%mul3A_2, %dma_start3A_58] : memref<2048x16xi32, #tpu.memory_space<hbm>> -> memref<64x16xi32, #tpu.memory_space<hbm>>
      %dma_start3A_60 = arith.constant 0 : i32
      %dma_start3A_61 = tpu.memref_slice %arg2[%mul3A_2, %dma_start3A_60] : memref<2048x16xi32, #tpu.memory_space<hbm>> -> memref<64x16xi32, #tpu.memory_space<hbm>>
      tpu.enqueue_dma source(%dma_start3A_61 : memref<64x16xi32, #tpu.memory_space<hbm>>) target(%arg5 : memref<64x16xi32, #tpu.memory_space<vmem>>) target_semaphore(%run_scoped3A : memref<!tpu.dma_semaphore, #tpu.memory_space<semaphore_mem>>)
      %dma_wait3A_62 = arith.constant 0 : i32
      %dma_wait3A_63 = tpu.memref_slice %arg2[%mul3A_2, %dma_wait3A_62] : memref<2048x16xi32, #tpu.memory_space<hbm>> -> memref<64x16xi32, #tpu.memory_space<hbm>>
      %dma_wait3A_64 = arith.constant 0 : i32
      %dma_wait3A_65 = tpu.memref_slice %arg2[%mul3A_2, %dma_wait3A_64] : memref<2048x16xi32, #tpu.memory_space<hbm>> -> memref<64x16xi32, #tpu.memory_space<hbm>>
      tpu.wait_dma2 semaphore(%run_scoped3A : memref<!tpu.dma_semaphore, #tpu.memory_space<semaphore_mem>>) src(%dma_wait3A_65 : memref<64x16xi32, #tpu.memory_space<hbm>>) dst(%arg5 : memref<64x16xi32, #tpu.memory_space<vmem>>)
      tpu.yield
    }) : () -> ()
    %dma_start3A = arith.constant 0 : i32
    %dma_start3A_3 = arith.constant 0 : i32
    %dma_start3A_4 = tpu.memref_slice %arg5[%dma_start3A, %dma_start3A_3] : memref<64x16xi32, #tpu.memory_space<vmem>> -> memref<1x16xi32, #tpu.memory_space<vmem>>
    %dma_start3A_5 = tpu.memref_squeeze %dma_start3A_4 : memref<1x16xi32, #tpu.memory_space<vmem>> -> memref<16xi32, #tpu.memory_space<vmem>>
    %dma_start3A_6 = arith.constant 0 : i32
    %dma_start3A_7 = arith.constant 0 : i32
    %dma_start3A_8 = tpu.memref_slice %arg3[%dma_start3A_6, %dma_start3A_7] : memref<100000x2048xf32, #tpu.memory_space<hbm>> -> memref<100000x2048xf32, #tpu.memory_space<hbm>>
    tpu.enqueue_indirect_dma source(%dma_start3A_8 : memref<100000x2048xf32, #tpu.memory_space<hbm>>) target(%arg6 : memref<16x2048xf32, #tpu.memory_space<vmem>>) offsets(%dma_start3A_5 : memref<16xi32, #tpu.memory_space<vmem>>) semaphore(%arg8 : memref<!tpu.dma_semaphore, #tpu.memory_space<semaphore_mem>>)
    %dma_start3A_9 = arith.constant 1 : i32
    %dma_start3A_10 = arith.constant 0 : i32
    %dma_start3A_11 = tpu.memref_slice %arg5[%dma_start3A_9, %dma_start3A_10] : memref<64x16xi32, #tpu.memory_space<vmem>> -> memref<1x16xi32, #tpu.memory_space<vmem>>
    %dma_start3A_12 = tpu.memref_squeeze %dma_start3A_11 : memref<1x16xi32, #tpu.memory_space<vmem>> -> memref<16xi32, #tpu.memory_space<vmem>>
    %dma_start3A_13 = arith.constant 0 : i32
    %dma_start3A_14 = arith.constant 0 : i32
    %dma_start3A_15 = tpu.memref_slice %arg3[%dma_start3A_13, %dma_start3A_14] : memref<100000x2048xf32, #tpu.memory_space<hbm>> -> memref<100000x2048xf32, #tpu.memory_space<hbm>>
    tpu.enqueue_indirect_dma source(%dma_start3A_15 : memref<100000x2048xf32, #tpu.memory_space<hbm>>) target(%arg7 : memref<16x2048xf32, #tpu.memory_space<vmem>>) offsets(%dma_start3A_12 : memref<16xi32, #tpu.memory_space<vmem>>) semaphore(%arg9 : memref<!tpu.dma_semaphore, #tpu.memory_space<semaphore_mem>>)
    %scan3A = arith.constant 0 : i32
    %scan3A_16 = arith.constant 0 : i32
    %scan3A_17 = arith.constant 31 : i32
    %scan3A_18 = arith.addi %scan3A_16, %scan3A_17 : i32
    %scan3A_19 = arith.constant 1 : i32
    scf.for %scan3A_58 = %scan3A_16 to %scan3A_18 step %scan3A_19  : i32 {
      %mul3A_59 = arith.constant 2 : i32
      %mul3A_60 = arith.muli %mul3A_59, %scan3A_58 : i32
      %dma_wait3A_61 = arith.constant 0 : i32
      %dma_wait3A_62 = tpu.memref_slice %arg5[%mul3A_60, %dma_wait3A_61] : memref<64x16xi32, #tpu.memory_space<vmem>> -> memref<1x16xi32, #tpu.memory_space<vmem>>
      %dma_wait3A_63 = tpu.memref_squeeze %dma_wait3A_62 : memref<1x16xi32, #tpu.memory_space<vmem>> -> memref<16xi32, #tpu.memory_space<vmem>>
      %dma_wait3A_64 = arith.constant 0 : i32
      %dma_wait3A_65 = arith.constant 0 : i32
      %dma_wait3A_66 = tpu.memref_slice %arg3[%dma_wait3A_64, %dma_wait3A_65] : memref<100000x2048xf32, #tpu.memory_space<hbm>> -> memref<100000x2048xf32, #tpu.memory_space<hbm>>
      tpu.wait_indirect_dma semaphore(%arg8 : memref<!tpu.dma_semaphore, #tpu.memory_space<semaphore_mem>>) src(%dma_wait3A_66 : memref<100000x2048xf32, #tpu.memory_space<hbm>>) dst(%arg6 : memref<16x2048xf32, #tpu.memory_space<vmem>>)
      %add3A_67 = arith.addi %mul3A_2, %mul3A_60 : i32
      %mul3A_68 = arith.constant 16 : i32
      %mul3A_69 = arith.muli %add3A_67, %mul3A_68 : i32
      %dma_start3A_70 = arith.constant 0 : i32
      %dma_start3A_71 = tpu.memref_slice %arg4[%mul3A_69, %dma_start3A_70] : memref<32768x2048xf32, #tpu.memory_space<hbm>> -> memref<16x2048xf32, #tpu.memory_space<hbm>>
      %dma_start3A_72 = arith.constant 0 : i32
      %dma_start3A_73 = tpu.memref_slice %arg4[%mul3A_69, %dma_start3A_72] : memref<32768x2048xf32, #tpu.memory_space<hbm>> -> memref<16x2048xf32, #tpu.memory_space<hbm>>
      tpu.enqueue_dma source(%arg6 : memref<16x2048xf32, #tpu.memory_space<vmem>>) target(%dma_start3A_73 : memref<16x2048xf32, #tpu.memory_space<hbm>>) target_semaphore(%arg10 : memref<!tpu.dma_semaphore, #tpu.memory_space<semaphore_mem>>)
      %dma_wait3A_74 = arith.constant 0 : i32
      %dma_wait3A_75 = tpu.memref_slice %arg4[%mul3A_69, %dma_wait3A_74] : memref<32768x2048xf32, #tpu.memory_space<hbm>> -> memref<16x2048xf32, #tpu.memory_space<hbm>>
      %dma_wait3A_76 = arith.constant 0 : i32
      %dma_wait3A_77 = tpu.memref_slice %arg4[%mul3A_69, %dma_wait3A_76] : memref<32768x2048xf32, #tpu.memory_space<hbm>> -> memref<16x2048xf32, #tpu.memory_space<hbm>>
      tpu.wait_dma2 semaphore(%arg10 : memref<!tpu.dma_semaphore, #tpu.memory_space<semaphore_mem>>) src(%arg6 : memref<16x2048xf32, #tpu.memory_space<vmem>>) dst(%dma_wait3A_77 : memref<16x2048xf32, #tpu.memory_space<hbm>>)
      %add3A_78 = arith.constant 2 : i32
      %add3A_79 = arith.addi %mul3A_60, %add3A_78 : i32
      %dma_start3A_80 = arith.constant 0 : i32
      %dma_start3A_81 = tpu.memref_slice %arg5[%add3A_79, %dma_start3A_80] : memref<64x16xi32, #tpu.memory_space<vmem>> -> memref<1x16xi32, #tpu.memory_space<vmem>>
      %dma_start3A_82 = tpu.memref_squeeze %dma_start3A_81 : memref<1x16xi32, #tpu.memory_space<vmem>> -> memref<16xi32, #tpu.memory_space<vmem>>
      %dma_start3A_83 = arith.constant 0 : i32
      %dma_start3A_84 = arith.constant 0 : i32
      %dma_start3A_85 = tpu.memref_slice %arg3[%dma_start3A_83, %dma_start3A_84] : memref<100000x2048xf32, #tpu.memory_space<hbm>> -> memref<100000x2048xf32, #tpu.memory_space<hbm>>
      tpu.enqueue_indirect_dma source(%dma_start3A_85 : memref<100000x2048xf32, #tpu.memory_space<hbm>>) target(%arg6 : memref<16x2048xf32, #tpu.memory_space<vmem>>) offsets(%dma_start3A_82 : memref<16xi32, #tpu.memory_space<vmem>>) semaphore(%arg8 : memref<!tpu.dma_semaphore, #tpu.memory_space<semaphore_mem>>)
      %add3A_86 = arith.constant 1 : i32
      %add3A_87 = arith.addi %mul3A_60, %add3A_86 : i32
      %dma_wait3A_88 = arith.constant 0 : i32
      %dma_wait3A_89 = tpu.memref_slice %arg5[%add3A_87, %dma_wait3A_88] : memref<64x16xi32, #tpu.memory_space<vmem>> -> memref<1x16xi32, #tpu.memory_space<vmem>>
      %dma_wait3A_90 = tpu.memref_squeeze %dma_wait3A_89 : memref<1x16xi32, #tpu.memory_space<vmem>> -> memref<16xi32, #tpu.memory_space<vmem>>
      %dma_wait3A_91 = arith.constant 0 : i32
      %dma_wait3A_92 = arith.constant 0 : i32
      %dma_wait3A_93 = tpu.memref_slice %arg3[%dma_wait3A_91, %dma_wait3A_92] : memref<100000x2048xf32, #tpu.memory_space<hbm>> -> memref<100000x2048xf32, #tpu.memory_space<hbm>>
      tpu.wait_indirect_dma semaphore(%arg9 : memref<!tpu.dma_semaphore, #tpu.memory_space<semaphore_mem>>) src(%dma_wait3A_93 : memref<100000x2048xf32, #tpu.memory_space<hbm>>) dst(%arg7 : memref<16x2048xf32, #tpu.memory_space<vmem>>)
      %add3A_94 = arith.addi %mul3A_2, %add3A_87 : i32
      %mul3A_95 = arith.constant 16 : i32
      %mul3A_96 = arith.muli %add3A_94, %mul3A_95 : i32
      %dma_start3A_97 = arith.constant 0 : i32
      %dma_start3A_98 = tpu.memref_slice %arg4[%mul3A_96, %dma_start3A_97] : memref<32768x2048xf32, #tpu.memory_space<hbm>> -> memref<16x2048xf32, #tpu.memory_space<hbm>>
      %dma_start3A_99 = arith.constant 0 : i32
      %dma_start3A_100 = tpu.memref_slice %arg4[%mul3A_96, %dma_start3A_99] : memref<32768x2048xf32, #tpu.memory_space<hbm>> -> memref<16x2048xf32, #tpu.memory_space<hbm>>
      tpu.enqueue_dma source(%arg7 : memref<16x2048xf32, #tpu.memory_space<vmem>>) target(%dma_start3A_100 : memref<16x2048xf32, #tpu.memory_space<hbm>>) target_semaphore(%arg10 : memref<!tpu.dma_semaphore, #tpu.memory_space<semaphore_mem>>)
      %dma_wait3A_101 = arith.constant 0 : i32
      %dma_wait3A_102 = tpu.memref_slice %arg4[%mul3A_96, %dma_wait3A_101] : memref<32768x2048xf32, #tpu.memory_space<hbm>> -> memref<16x2048xf32, #tpu.memory_space<hbm>>
      %dma_wait3A_103 = arith.constant 0 : i32
      %dma_wait3A_104 = tpu.memref_slice %arg4[%mul3A_96, %dma_wait3A_103] : memref<32768x2048xf32, #tpu.memory_space<hbm>> -> memref<16x2048xf32, #tpu.memory_space<hbm>>
      tpu.wait_dma2 semaphore(%arg10 : memref<!tpu.dma_semaphore, #tpu.memory_space<semaphore_mem>>) src(%arg7 : memref<16x2048xf32, #tpu.memory_space<vmem>>) dst(%dma_wait3A_104 : memref<16x2048xf32, #tpu.memory_space<hbm>>)
      %add3A_105 = arith.constant 2 : i32
      %add3A_106 = arith.addi %add3A_87, %add3A_105 : i32
      %dma_start3A_107 = arith.constant 0 : i32
      %dma_start3A_108 = tpu.memref_slice %arg5[%add3A_106, %dma_start3A_107] : memref<64x16xi32, #tpu.memory_space<vmem>> -> memref<1x16xi32, #tpu.memory_space<vmem>>
      %dma_start3A_109 = tpu.memref_squeeze %dma_start3A_108 : memref<1x16xi32, #tpu.memory_space<vmem>> -> memref<16xi32, #tpu.memory_space<vmem>>
      %dma_start3A_110 = arith.constant 0 : i32
      %dma_start3A_111 = arith.constant 0 : i32
      %dma_start3A_112 = tpu.memref_slice %arg3[%dma_start3A_110, %dma_start3A_111] : memref<100000x2048xf32, #tpu.memory_space<hbm>> -> memref<100000x2048xf32, #tpu.memory_space<hbm>>
      tpu.enqueue_indirect_dma source(%dma_start3A_112 : memref<100000x2048xf32, #tpu.memory_space<hbm>>) target(%arg7 : memref<16x2048xf32, #tpu.memory_space<vmem>>) offsets(%dma_start3A_109 : memref<16xi32, #tpu.memory_space<vmem>>) semaphore(%arg9 : memref<!tpu.dma_semaphore, #tpu.memory_space<semaphore_mem>>)
    }
    %scan3A_20 = arith.constant 31 : i32
    %dma_wait3A = arith.constant 62 : i32
    %dma_wait3A_21 = arith.constant 0 : i32
    %dma_wait3A_22 = tpu.memref_slice %arg5[%dma_wait3A, %dma_wait3A_21] : memref<64x16xi32, #tpu.memory_space<vmem>> -> memref<1x16xi32, #tpu.memory_space<vmem>>
    %dma_wait3A_23 = tpu.memref_squeeze %dma_wait3A_22 : memref<1x16xi32, #tpu.memory_space<vmem>> -> memref<16xi32, #tpu.memory_space<vmem>>
    %dma_wait3A_24 = arith.constant 0 : i32
    %dma_wait3A_25 = arith.constant 0 : i32
    %dma_wait3A_26 = tpu.memref_slice %arg3[%dma_wait3A_24, %dma_wait3A_25] : memref<100000x2048xf32, #tpu.memory_space<hbm>> -> memref<100000x2048xf32, #tpu.memory_space<hbm>>
    tpu.wait_indirect_dma semaphore(%arg8 : memref<!tpu.dma_semaphore, #tpu.memory_space<semaphore_mem>>) src(%dma_wait3A_26 : memref<100000x2048xf32, #tpu.memory_space<hbm>>) dst(%arg6 : memref<16x2048xf32, #tpu.memory_space<vmem>>)
    %add3A_27 = arith.constant 62 : i32
    %add3A_28 = arith.addi %mul3A_2, %add3A_27 : i32
    %mul3A_29 = arith.constant 16 : i32
    %mul3A_30 = arith.muli %add3A_28, %mul3A_29 : i32
    %dma_start3A_31 = arith.constant 0 : i32
    %dma_start3A_32 = tpu.memref_slice %arg4[%mul3A_30, %dma_start3A_31] : memref<32768x2048xf32, #tpu.memory_space<hbm>> -> memref<16x2048xf32, #tpu.memory_space<hbm>>
    %dma_start3A_33 = arith.constant 0 : i32
    %dma_start3A_34 = tpu.memref_slice %arg4[%mul3A_30, %dma_start3A_33] : memref<32768x2048xf32, #tpu.memory_space<hbm>> -> memref<16x2048xf32, #tpu.memory_space<hbm>>
    tpu.enqueue_dma source(%arg6 : memref<16x2048xf32, #tpu.memory_space<vmem>>) target(%dma_start3A_34 : memref<16x2048xf32, #tpu.memory_space<hbm>>) target_semaphore(%arg10 : memref<!tpu.dma_semaphore, #tpu.memory_space<semaphore_mem>>)
    %dma_wait3A_35 = arith.constant 0 : i32
    %dma_wait3A_36 = tpu.memref_slice %arg4[%mul3A_30, %dma_wait3A_35] : memref<32768x2048xf32, #tpu.memory_space<hbm>> -> memref<16x2048xf32, #tpu.memory_space<hbm>>
    %dma_wait3A_37 = arith.constant 0 : i32
    %dma_wait3A_38 = tpu.memref_slice %arg4[%mul3A_30, %dma_wait3A_37] : memref<32768x2048xf32, #tpu.memory_space<hbm>> -> memref<16x2048xf32, #tpu.memory_space<hbm>>
    tpu.wait_dma2 semaphore(%arg10 : memref<!tpu.dma_semaphore, #tpu.memory_space<semaphore_mem>>) src(%arg6 : memref<16x2048xf32, #tpu.memory_space<vmem>>) dst(%dma_wait3A_38 : memref<16x2048xf32, #tpu.memory_space<hbm>>)
    %dma_wait3A_39 = arith.constant 63 : i32
    %dma_wait3A_40 = arith.constant 0 : i32
    %dma_wait3A_41 = tpu.memref_slice %arg5[%dma_wait3A_39, %dma_wait3A_40] : memref<64x16xi32, #tpu.memory_space<vmem>> -> memref<1x16xi32, #tpu.memory_space<vmem>>
    %dma_wait3A_42 = tpu.memref_squeeze %dma_wait3A_41 : memref<1x16xi32, #tpu.memory_space<vmem>> -> memref<16xi32, #tpu.memory_space<vmem>>
    %dma_wait3A_43 = arith.constant 0 : i32
    %dma_wait3A_44 = arith.constant 0 : i32
    %dma_wait3A_45 = tpu.memref_slice %arg3[%dma_wait3A_43, %dma_wait3A_44] : memref<100000x2048xf32, #tpu.memory_space<hbm>> -> memref<100000x2048xf32, #tpu.memory_space<hbm>>
    tpu.wait_indirect_dma semaphore(%arg9 : memref<!tpu.dma_semaphore, #tpu.memory_space<semaphore_mem>>) src(%dma_wait3A_45 : memref<100000x2048xf32, #tpu.memory_space<hbm>>) dst(%arg7 : memref<16x2048xf32, #tpu.memory_space<vmem>>)
    %add3A_46 = arith.constant 63 : i32
    %add3A_47 = arith.addi %mul3A_2, %add3A_46 : i32
    %mul3A_48 = arith.constant 16 : i32
    %mul3A_49 = arith.muli %add3A_47, %mul3A_48 : i32
    %dma_start3A_50 = arith.constant 0 : i32
    %dma_start3A_51 = tpu.memref_slice %arg4[%mul3A_49, %dma_start3A_50] : memref<32768x2048xf32, #tpu.memory_space<hbm>> -> memref<16x2048xf32, #tpu.memory_space<hbm>>
    %dma_start3A_52 = arith.constant 0 : i32
    %dma_start3A_53 = tpu.memref_slice %arg4[%mul3A_49, %dma_start3A_52] : memref<32768x2048xf32, #tpu.memory_space<hbm>> -> memref<16x2048xf32, #tpu.memory_space<hbm>>
    tpu.enqueue_dma source(%arg7 : memref<16x2048xf32, #tpu.memory_space<vmem>>) target(%dma_start3A_53 : memref<16x2048xf32, #tpu.memory_space<hbm>>) target_semaphore(%arg10 : memref<!tpu.dma_semaphore, #tpu.memory_space<semaphore_mem>>)
    %dma_wait3A_54 = arith.constant 0 : i32
    %dma_wait3A_55 = tpu.memref_slice %arg4[%mul3A_49, %dma_wait3A_54] : memref<32768x2048xf32, #tpu.memory_space<hbm>> -> memref<16x2048xf32, #tpu.memory_space<hbm>>
    %dma_wait3A_56 = arith.constant 0 : i32
    %dma_wait3A_57 = tpu.memref_slice %arg4[%mul3A_49, %dma_wait3A_56] : memref<32768x2048xf32, #tpu.memory_space<hbm>> -> memref<16x2048xf32, #tpu.memory_space<hbm>>
    tpu.wait_dma2 semaphore(%arg10 : memref<!tpu.dma_semaphore, #tpu.memory_space<semaphore_mem>>) src(%arg7 : memref<16x2048xf32, #tpu.memory_space<vmem>>) dst(%dma_wait3A_57 : memref<16x2048xf32, #tpu.memory_space<hbm>>)
    return
  }
}

</mosaic_0001>

<sc_bundles>
// kernel: _run.3.cloned.1.call-start
scs
__scs_entry_jumppad:
0x0: {  	(pc) =	sbr.rel $0x88, $3  }
0x1: {  	(tag) =	ssettag $0x0;
	lr =	simm.s32 $0x1  }
0x2: {  	[smem:$0x3F9F] =	sst lr;
	_ =	strace $0xD0000000  }
0x3: {  	_ = 	snop  }
0x4: {  	_ = 	snop  }
0x5: {  	_ = 	snop  }
0x6: {  	_ = 	snop  }
0x7: {  	_ = 	snop  }
__scs_overlays_trampoline_lowered:
0x8: {  	[smem:$0x3FAE] =	sst s0  }
0x9: {  	[smem:$0x3FAF] =	sst s1  }
0xa: {  	[smem:$0x3FB0] =	sst s2  }
0xb: {  	[smem:$0x3FB1] =	sst s3  }
0xc: {  	[smem:$0x3FB2] =	sst s4  }
0xd: {  	[smem:$0x3FB3] =	sst s5  }
0xe: {  	[smem:$0x3FB4] =	sst s6  }
0xf: {  	[smem:$0x3FB5] =	sst s7  }
0x10: {  	[smem:$0x3FB6] =	sst s8  }
0x11: {  	[smem:$0x3FB7] =	sst s9;
	s0 =	simm.s32 @!p0 $0x0  }
0x12: {  	s1 =	sld [smem:$0x3F9D];
	s0 =	simm.s32 @p0 $0x1  }
0x13: {  	[smem:$0x3FB8] =	sst s0;
	s0 =	simm.s32 @!p1 $0x0  }
0x14: {  	s2 =	sld [smem:$0x3F9C];
	s0 =	simm.s32 @p1 $0x1  }
0x15: {  	[smem:$0x3FB9] =	sst s0;
	s0 =	simm.s32 @!p2 $0x0  }
0x16: {  	s3 =	sld [smem:$0x3FDB];
	s0 =	simm.s32 @p2 $0x1  }
0x17: {  	s4 =	simm.s32 $0x1BF5;
	[smem:$0x3FBB] =	sst s0  }
0x18: {  	s0 =	sld [smem:$0x3F9E];
	_ =	swait.ge [sflag:s4], $0x0  }
0x19: {  	s7 =	sld [smem:$0x3F9F]  }
0x1a: {  	s8 =	sadd.s32 $0xFFFFE003, lr  }
0x1b: {  	s9 =	sadd.s32 $0xFFFFFEF7, lr;
	s5 =	simm.s32 $0xFFFFFFFF;
	p2 =	slt.u32 s8, $0xFFFFF086  }
0x1c: {  	p1 =	slt.u32 s9, $0xF7A;
	s5 =	simm.s32 @!p2 $0x0  }
0x1d: {  	s5 =	simm.s32 @p1 $0x1;
	p0 =	seq.s32 s7, s2  }
0x1e: {  	s7 =	smul.u32 @!p0 $0xF7A, s2;
	p2 =	seq.s32 @!p0 s5, $0x0  }
0x1f: {  	s9 =	smul.u32 $0xF7A, s1;
	s8 =	simm.s32 @!p0 $0x1BF5;
	p2 =	por !p2, p0  }
0x20: {  	[sflag:s8] =	ssyncset.s32 @!p0 $0xFFFFF086;
	s6 =	sadd.s32 @!p0 s3, s7;
	s7 =	simm.s32 @!p0 $0x108  }
0x21: {  	s3 =	sadd.s32 s3, s9;
	s6 =	sadd.s32 @!p0 $0x88, s6;
	s7 =	simm.s32 @p2 $0x1082  }
0x22: {  	[simem:s7], [sflag:s8] =	dma.local @!p0 [hbm:s6], $0xF7A  }
0x23: {  	s9 =	sor.u32 $0xD0000000, s2;
	s6 =	simm.s32 $0x108;
	_ =	swait.ge @!p0 [sflag:s8], $0x0  }
0x24: {  	s3 =	sadd.s32 $0x88, s3;
	s6 =	simm.s32 @!p1 $0x1082;
	[sflag:s4] =	ssyncset.s32 $0xFFFFF086  }
0x25: {  	[simem:s6], [sflag:s4] =	dma.local [hbm:s3], $0xF7A  }
0x26: {  	[smem:$0x3F9F] =	sst s1;
	(tag) =	ssettag s2;
	_ =	strace s9  }
0x27: {  	s1 =	sld [smem:$0x3FAF]  }
0x28: {  	s2 =	sld [smem:$0x3FB0]  }
0x29: {  	s4 =	sld [smem:$0x3FB2]  }
0x2a: {  	p0 =	seq.s32 s5, $0x0;
	s5 =	sld [smem:$0x3FB3]  }
0x2b: {  	s6 =	sld [smem:$0x3FB4]  }
0x2c: {  	s7 =	sld [smem:$0x3FB5]  }
0x2d: {  	s3 =	simm.s32 $0x108;
	s8 =	sld [smem:$0x3FB6]  }
0x2e: {  	s3 =	simm.s32 @!p0 $0x1082;
	s9 =	sld [smem:$0x3FB7]  }
0x2f: {  	lr =	sadd.s32 s0, s3;
	s0 =	sld [smem:$0x3FAE]  }
0x30: {  	s3 =	sld [smem:$0x3FB1]  }
0x31: {  	[smem:$0x3FBA] =	sst s10  }
0x32: {  	s10 =	sld [smem:$0x3FB8];
	_ =	sdelay $0x3  }
0x33: {  	p0 =	seq.s32 s10, $0x1;
	s10 =	sld [smem:$0x3FBA];
	_ =	sdelay $0x3  }
0x34: {  	[smem:$0x3FBA] =	sst s10  }
0x35: {  	s10 =	sld [smem:$0x3FB9];
	_ =	sdelay $0x3  }
0x36: {  	p1 =	seq.s32 s10, $0x1;
	s10 =	sld [smem:$0x3FBA];
	_ =	sdelay $0x3  }
0x37: {  	[smem:$0x3FBA] =	sst s10  }
0x38: {  	s10 =	sld [smem:$0x3FBB]  }
0x39: {  	_ = 	snop;
	(pc) =	sbr.ind lr, $3  }
0x3a: {  	_ = 	snop  }
0x3b: {  	_ = 	snop  }
0x3c: {  	p2 =	seq.s32 s10, $0x1;
	s10 =	sld [smem:$0x3FBA]  }
0x3d: {  	_ =	shalt  }
0x3e: {  	_ =	shalt  }
0x3f: {  	_ =	shalt  }
0x40: {  	_ =	shalt  }
0x41: {  	_ =	shalt  }
0x42: {  	_ =	shalt  }
0x43: {  	_ =	shalt  }
0x44: {  	_ =	shalt  }
0x45: {  	_ =	shalt  }
0x46: {  	_ =	shalt  }
0x47: {  	_ =	shalt  }
0x48: {  	_ =	shalt  }
0x49: {  	_ =	shalt  }
0x4a: {  	_ =	shalt  }
0x4b: {  	_ =	shalt  }
0x4c: {  	_ =	shalt  }
0x4d: {  	_ =	shalt  }
0x4e: {  	_ =	shalt  }
0x4f: {  	_ =	shalt  }
0x50: {  	_ =	shalt  }
0x51: {  	_ =	shalt  }
0x52: {  	_ =	shalt  }
0x53: {  	_ =	shalt  }
0x54: {  	_ =	shalt  }
0x55: {  	_ =	shalt  }
0x56: {  	_ =	shalt  }
0x57: {  	_ =	shalt  }
0x58: {  	_ =	shalt  }
0x59: {  	_ =	shalt  }
0x5a: {  	_ =	shalt  }
0x5b: {  	_ =	shalt  }
0x5c: {  	_ =	shalt  }
0x5d: {  	_ =	shalt  }
0x5e: {  	_ =	shalt  }
0x5f: {  	_ =	shalt  }
0x60: {  	_ =	shalt  }
0x61: {  	_ =	shalt  }
0x62: {  	_ =	shalt  }
0x63: {  	_ =	shalt  }
0x64: {  	_ =	shalt  }
0x65: {  	_ =	shalt  }
0x66: {  	_ =	shalt  }
0x67: {  	_ =	shalt  }
0x68: {  	_ =	shalt  }
0x69: {  	_ =	shalt  }
0x6a: {  	_ =	shalt  }
0x6b: {  	_ =	shalt  }
0x6c: {  	_ =	shalt  }
0x6d: {  	_ =	shalt  }
0x6e: {  	_ =	shalt  }
0x6f: {  	_ =	shalt  }
0x70: {  	_ =	shalt  }
0x71: {  	_ =	shalt  }
0x72: {  	_ =	shalt  }
0x73: {  	_ =	shalt  }
0x74: {  	_ =	shalt  }
0x75: {  	_ =	shalt  }
0x76: {  	_ =	shalt  }
0x77: {  	_ =	shalt  }
0x78: {  	_ =	shalt  }
0x79: {  	_ =	shalt  }
0x7a: {  	_ =	shalt  }
0x7b: {  	_ =	shalt  }
0x7c: {  	_ =	shalt  }
0x7d: {  	_ =	shalt  }
0x7e: {  	_ =	shalt  }
0x7f: {  	_ =	shalt  }
0x80: {  	_ =	shalt  }
0x81: {  	_ =	shalt  }
0x82: {  	_ =	shalt  }
0x83: {  	_ =	shalt  }
0x84: {  	_ =	shalt  }
0x85: {  	_ =	shalt  }
0x86: {  	_ =	shalt  }
0x87: {  	_ =	shalt  }
.Lfunc_end0:
.L_simem_size_0:
called_computation_lowered:
.L_overlay_start_0:
0x88: {  	s2 =	sld [smem:$0x3FD9]  }
0x89: {  	s3 =	sld [smem:$0x3FFE];
	_ =	sdelay $0x1  }
0x8a: {  	s1 =	srdreg.scid  }
0x8b: {  	s0 =	sand.u32 $0x1, s1  }
0x8c: {  	s17 =	sshll.u32 s0, $0xA;
	s2 =	sadd.s32 s3, s2  }
0x8d: {  	s2 =	sadd.s32 s2, s17  }
0x8e: {  	[smem:$0x3FC6] =	sst s2  }
0x8f: {  	_ = 	snop  }
0x90: {  	s2 =	sld [smem:$0x3FC8]  }
0x91: {  	s18 =	sld [smem:$0x3FD0];
	(tm) =	ssettm $0x1  }
0x92: {  	s4 =	sld [smem:$0x3FFB];
	_ =	sdelay $0x3  }
0x93: {  	_ =	strace s4  }
0x94: {  	s4 =	sld [smem:$0x3FFC];
	_ =	sdelay $0x3  }
0x95: {  	_ =	strace s4  }
0x96: {  	s4 =	sld [smem:$0x3FFD];
	_ =	sdelay $0x3  }
0x97: {  	_ =	strace s4  }
0x98: {  	_ =	strace $0x8FFFFFFF  }
0x99: {  	s19 =	sld [smem:$0x3FDB];
	_ =	sdelay $0x1  }
0x9a: {  	s5 =	simm.s32 $_scs_section_size  }
0x9b: {  	s6 =	simm.s32 $_size__tile_overlayer_lowered;
	s7 =	simm.s32 $_tile_overlayer_lowered  }
0x9c: {  	s22 =	simm.s32 $0x1BFF;
	s21 =	sshll.u32 s7, $0x1;
	s4 =	sadd.s32 s5, s19  }
0x9d: {  	s8 =	simm.s32 $0x0;
	s20 =	sshll.u32 s6, $0x1;
	s6 =	sadd.s32 s21, s4  }
0x9e: {  	[timem:s8], [sflag:s22] =	dma.local [hbm:s6], s20  }
0x9f: {  	_ =	swait.ge [sflag:s22], s20  }
0xa0: {  	s5 =	ssub.s32 $0x0, s20;
	[sflag:s22] =	ssyncset.done $0x0  }
0xa1: {  	[sflag:s22] =	ssyncadd.s32 s5;
	_ =	sdelay $0x1  }
0xa2: {  	s23 =	simm.s32 $0x1B8B  }
0xa3: {  	_ =	swait.ge [sflag:s23], $0x1  }
0xa4: {  	[sflag:s23] =	ssyncset.done $0x0  }
0xa5: {  	s25 =	simm.s32 $0x1B8E;
	s24 =	sld [smem:$0x3FFE];
	[sflag:s23] =	ssyncadd.s32 $0xFFFFFFFF  }
0xa6: {  	s26 =	simm.s32 $execute0_lowered;
	[smem:$0x3FD2] =	sst s25  }
0xa7: {  	s6 =	sshll.u32 s26, $0x1;
	_ =	strace $0x80000046;
	[dreg:$0x1] =	wrdreg $0xFFFFFFFF  }
0xa8: {  	s28 =	simm.s32 $_size_execute0_lowered;
	s4 =	sadd.s32 s4, s6;
	[dreg:$0x0] =	wrdreg $0x0  }
0xa9: {  	s6 =	sshll.u32 s28, $0x1;
	[dreg:$0x2] =	wrdreg s4  }
0xaa: {  	[dreg:$0x3] =	wrdreg s6  }
0xab: {  	[dreg:$0x4] =	wrdreg $0xC0  }
0xac: {  	_ =	task [dreg:s8], $0x5FFFF  }
0xad: {  	[dreg:$0x1] =	wrdreg $0xFFFFFFFF  }
0xae: {  	[dreg:$0x0] =	wrdreg $0x60  }
0xaf: {  	[dreg:$0x2] =	wrdreg s24  }
0xb0: {  	[dreg:$0x3] =	wrdreg s2  }
0xb1: {  	[dreg:$0x4] =	wrdreg s18  }
0xb2: {  	[dreg:$0x5] =	wrdreg $0x9  }
0xb3: {  	_ =	task.clear_ibuf [dreg:s8], $0x6FFFF;
	_ =	strace $0x90000046  }
0xb4: {  	s29 =	simm.s32 $0x9;
	_ =	strace $0x80000048  }
0xb5: {  	_ =	swait.ge [sflag:s29], $0x1  }
0xb6: {  	[sflag:s29] =	ssyncadd.s32 $0xFFFFFFFF  }
0xb7: {  	_ =	strace $0x90000048  }
0xb8: {  	_ =	sfence  }
0xb9: {  	s30 =	sld [smem:$0x0];
	_ =	sdelay $0x2  }
0xba: {  	s31 =	sshll.u32 s1, $0xD;
	s1 =	sshrl.u32 s1, $0x2  }
0xbb: {  	s3 =	sand.u32 $0x4000, s31;
	s1 =	sadd.s32 s1, s30  }
0xbc: {  	s0 =	sor.u32 s3, s0;
	s1 =	sshll.u32 s1, $0x11  }
0xbd: {  	s0 =	sor.u32 s1, s0  }
0xbe: {  	s0 =	sadd.s32 $0x8F2B, s0  }
0xbf: {  	[sflag:s0] =	ssyncadd.remote.s32 $0x1  }
0xc0: {  	_ =	sfence.sel $0xFFFF  }
0xc1: {  	[dreg:$0x0] =	wrdreg $0xFFFFFFFF;
	(pc) =	sbr.abs _section_cstart, $3  }
0xc2: {  	[dreg:$0x1] =	wrdreg $0xFFFFFFFF  }
0xc3: {  	_ =	task.clear_ibuf [dreg:s8], $0x2FFFF;
	_ =	strace $0x9FFFFFFF  }
0xc4: {  	(tm) =	ssettm $0x7FFFFFFF  }
0xc5: {  	_ =	shalt  }
tec
execute0_lowered:
.L_overlay_start_1:
0x0: {  	(tag) =	ssettag $0x1  }
0x1: {  	s0 =	rddreg [dreg:$0x0]  }
0x2: {  	s1 =	srdreg.scid;
	s2 =	rddreg [dreg:$0x1]  }
0x3: {  	s14 =	stileid.u32;
	s4 =	rddreg [dreg:$0x2];
	s15 =	simm.s32 $0x2000  }
0x4: {  	s16 =	simm.s32 $0x5000;
	s18 =	simm.s32 $0x5800;
	s19 =	simm.s32 $0x6000  }
0x5: {  	s20 =	simm.s32 $0x6800;
	s17 =	simm.s32 $0xA000;
	s28 =	simm.s32 $0xA800  }
0x6: {  	s29 =	simm.s32 $0x1;
	s30 =	simm.s32 $0x3;
	s31 =	simm.s32 $0x2  }
0x7: {  	s1 =	sand.u32 $0x1, s1;
	s3 =	sshll.u32 s14, $0x7;
	s7 =	sadd.s32 $0x300, s2  }
0x8: {  	s8 =	sadd.s32 $0x400, s2;
	s9 =	sadd.s32 $0x500, s2;
	s10 =	sadd.s32 $0x600, s2  }
0x9: {  	s11 =	sadd.s32 $0x700, s2;
	s23 =	sshll.u32 s14, $0x13;
	s14 =	simm.s32 $0x4000  }
0xa: {  	s5 =	sshll.u32 s1, $0x6;
	s6 =	ssub.s32 $0x2, s1;
	s1 =	sshll.u32 s1, $0x12  }
0xb: {  	s12 =	sor.u32 s5, s3;
	s3 =	simm.s32 $0x0;
	s21 =	sshrl.u32 s6, $0x1  }
0xc: {  	s5 =	sshll.u32 s12, $0x4;
	[smem:$0x7FF] =	sst s3;
	s13 =	ssub.s32 s6, s21  }
0xd: {  	s6 =	sadd.s32 $0x200, s2;
	s22 =	sshll.u32 s12, $0xC;
	s12 =	simm.s32 $0x3000  }
0xe: {  	s21 =	simm.s32 $0x7000;
	s0 =	sadd.s32 s5, s0;
	_ =	strace $0x80000047  }
0xf: {  	s5 =	sadd.s32 $0x100, s2;
	s26 =	smax.u32 s13, $0x1;
	s13 =	simm.s32 $0x3800  }
0x10: {  	s0 =	sadd.s32 $0x400, s0;
	[dreg:$0x7] =	wrdreg s26;
	s26 =	simm.s32 $0x4800  }
0x11: {  	[dreg:$0x4] =	wrdreg s0;
	s0 =	sadd.s32 s22, s4;
	s4 =	sadd.s32 s23, s4  }
0x12: {  	s22 =	simm.s32 $0x7800;
	s23 =	simm.s32 $0x8000;
	s24 =	sadd.s32 $0x3E000, s0  }
0x13: {  	s0 =	sadd.s32 $0x3F000, s0;
	s25 =	sadd.s32 s1, s4;
	[dreg:$0x5] =	wrdreg s24  }
0x14: {  	v2 =	vlaneseq.u32;
	s1 =	simm.s32 $0x2800;
	[dreg:$0x6] =	wrdreg s0;
	s0 =	sadd.s32 $0x1000, s25  }
0x15: {  	vm0 =	vmmov $0xffff;
	v1 =	vshrl.u32 v2, $0x3;
	s4 =	simm.s32 $0x9800;
	[dreg:$0x8] =	wrdreg s0;
	s0 =	simm.s32 $0x0  }
0x16: {  	v0 =	vand.u32 $0x7, v2;
	v2 =	vor.u32 $0x8, v2;
	v1 =	vmul.u32 $0x8, v1;
	s24 =	simm.s32 $0x8800;
	s25 =	simm.s32 $0x9000;
	[dreg:$0x9] =	wrdreg s0  }
.LBB2_1:
0x17: {  	s0 =	rddreg [dreg:$0x4]  }
0x18: {  	[tilespmem:s3], [sflag:$0x4] =	stream.linear.gather [hbm4b:s0+s3], $0x2000, $0x38;
	[tilespmem:$0x12000] =	vst v63  }
0x19: {  	s0 =	simm.s32 $0x4  }
0x1a: {  	_ =	swait.ge [sflag:s0], $0x2000  }
0x1b: {  	[sflag:s0] =	ssyncset.done $0x0  }
0x1c: {  	[sflag:s0] =	ssyncadd.s32 $0xFFFFE000  }
0x1d: {  	v3 =	vld [tilespmem:$0x0];
	_ =	sdelay $0x4  }
0x1e: {  	v4 =	vshll.u32 v3, $0x4  }
0x1f: {  	v3 =	vand.u32 $0x7, v3;
	v4 =	vand.u32 $0xFFFFFF80, v4  }
0x20: {  	v3 =	vor.u32 v3, v4  }
0x21: {  	v4 =	vperm.xlane v3, v0;
	_ =	sdelay $0x1  }
0x22: {  	v4 =	vadd.s32 v1, v4;
	_ =	sdelay $0x4  }
0x23: {  	[tilespmem:s15], [sflag:$0x1] =	stream.indirect_vreg.gather [hbm4b:s2+s3], $0x80, v4, vm0, $0xb8;
	[tilespmem:$0x12000] =	vst v63  }
0x24: {  	_ = 	snop  }
0x25: {  	[tilespmem:s1], [sflag:$0x1] =	stream.indirect_vreg.gather [hbm4b:s5+s3], $0x80, v4, vm0, $0xb8;
	[tilespmem:$0x12000] =	vst v63  }
0x26: {  	_ = 	snop  }
0x27: {  	[tilespmem:s12], [sflag:$0x1] =	stream.indirect_vreg.gather [hbm4b:s6+s3], $0x80, v4, vm0, $0xb8;
	[tilespmem:$0x12000] =	vst v63  }
0x28: {  	_ = 	snop  }
0x29: {  	[tilespmem:s13], [sflag:$0x1] =	stream.indirect_vreg.gather [hbm4b:s7+s3], $0x80, v4, vm0, $0xb8;
	[tilespmem:$0x12000] =	vst v63  }
0x2a: {  	_ = 	snop  }
0x2b: {  	[tilespmem:s14], [sflag:$0x1] =	stream.indirect_vreg.gather [hbm4b:s8+s3], $0x80, v4, vm0, $0xb8;
	[tilespmem:$0x12000] =	vst v63  }
0x2c: {  	v3 =	vperm.xlane v3, v2  }
0x2d: {  	[tilespmem:s26], [sflag:$0x1] =	stream.indirect_vreg.gather [hbm4b:s9+s3], $0x80, v4, vm0, $0xb8;
	[tilespmem:$0x12000] =	vst v63  }
0x2e: {  	v3 =	vadd.s32 v1, v3  }
0x2f: {  	[tilespmem:s16], [sflag:$0x1] =	stream.indirect_vreg.gather [hbm4b:s10+s3], $0x80, v4, vm0, $0xb8;
	[tilespmem:$0x12000] =	vst v63  }
0x30: {  	_ = 	snop  }
0x31: {  	[tilespmem:s18], [sflag:$0x1] =	stream.indirect_vreg.gather [hbm4b:s11+s3], $0x80, v4, vm0, $0xb8;
	[tilespmem:$0x12000] =	vst v63  }
0x32: {  	_ = 	snop  }
0x33: {  	[tilespmem:s19], [sflag:$0x1] =	stream.indirect_vreg.gather [hbm4b:s2+s3], $0x80, v3, vm0, $0xb8;
	[tilespmem:$0x12000] =	vst v63  }
0x34: {  	_ = 	snop  }
0x35: {  	[tilespmem:s20], [sflag:$0x1] =	stream.indirect_vreg.gather [hbm4b:s5+s3], $0x80, v3, vm0, $0xb8;
	[tilespmem:$0x12000] =	vst v63  }
0x36: {  	_ = 	snop  }
0x37: {  	[tilespmem:s21], [sflag:$0x1] =	stream.indirect_vreg.gather [hbm4b:s6+s3], $0x80, v3, vm0, $0xb8;
	[tilespmem:$0x12000] =	vst v63  }
0x38: {  	_ = 	snop  }
0x39: {  	[tilespmem:s22], [sflag:$0x1] =	stream.indirect_vreg.gather [hbm4b:s7+s3], $0x80, v3, vm0, $0xb8;
	[tilespmem:$0x12000] =	vst v63  }
0x3a: {  	_ = 	snop  }
0x3b: {  	[tilespmem:s23], [sflag:$0x1] =	stream.indirect_vreg.gather [hbm4b:s8+s3], $0x80, v3, vm0, $0xb8;
	[tilespmem:$0x12000] =	vst v63  }
0x3c: {  	_ = 	snop  }
0x3d: {  	[tilespmem:s24], [sflag:$0x1] =	stream.indirect_vreg.gather [hbm4b:s9+s3], $0x80, v3, vm0, $0xb8;
	[tilespmem:$0x12000] =	vst v63  }
0x3e: {  	_ = 	snop  }
0x3f: {  	[tilespmem:s25], [sflag:$0x1] =	stream.indirect_vreg.gather [hbm4b:s10+s3], $0x80, v3, vm0, $0xb8;
	[tilespmem:$0x12000] =	vst v63  }
0x40: {  	_ = 	snop  }
0x41: {  	[tilespmem:s4], [sflag:$0x1] =	stream.indirect_vreg.gather [hbm4b:s11+s3], $0x80, v3, vm0, $0xb8;
	[tilespmem:$0x12000] =	vst v63  }
0x42: {  	v3 =	vld [tilespmem:$0x80];
	_ =	sdelay $0x4  }
0x43: {  	v63 =	vshll.u32 v3, $0x4  }
0x44: {  	v3 =	vand.u32 $0x7, v3;
	v4 =	vand.u32 $0xFFFFFF80, v63  }
0x45: {  	v3 =	vor.u32 v3, v4  }
0x46: {  	v4 =	vperm.xlane v3, v0;
	_ =	sdelay $0x1  }
0x47: {  	v4 =	vadd.s32 v1, v4;
	_ =	sdelay $0x4  }
0x48: {  	[tilespmem:s17], [sflag:$0x2] =	stream.indirect_vreg.gather [hbm4b:s2+s3], $0x80, v4, vm0, $0xb8;
	[tilespmem:$0x12000] =	vst v63  }
0x49: {  	_ = 	snop  }
0x4a: {  	[tilespmem:s28], [sflag:$0x2] =	stream.indirect_vreg.gather [hbm4b:s5+s3], $0x80, v4, vm0, $0xb8;
	[tilespmem:$0x12000] =	vst v63  }
0x4b: {  	s16 =	simm.s32 $0xB000  }
0x4c: {  	[tilespmem:s16], [sflag:$0x2] =	stream.indirect_vreg.gather [hbm4b:s6+s3], $0x80, v4, vm0, $0xb8;
	[tilespmem:$0x12000] =	vst v63  }
0x4d: {  	s17 =	simm.s32 $0xB800  }
0x4e: {  	[tilespmem:s17], [sflag:$0x2] =	stream.indirect_vreg.gather [hbm4b:s7+s3], $0x80, v4, vm0, $0xb8;
	[tilespmem:$0x12000] =	vst v63  }
0x4f: {  	s18 =	simm.s32 $0xC000  }
0x50: {  	[tilespmem:s18], [sflag:$0x2] =	stream.indirect_vreg.gather [hbm4b:s8+s3], $0x80, v4, vm0, $0xb8;
	[tilespmem:$0x12000] =	vst v63  }
0x51: {  	s19 =	simm.s32 $0xC800;
	v3 =	vperm.xlane v3, v2  }
0x52: {  	[tilespmem:s19], [sflag:$0x2] =	stream.indirect_vreg.gather [hbm4b:s9+s3], $0x80, v4, vm0, $0xb8;
	[tilespmem:$0x12000] =	vst v63  }
0x53: {  	s20 =	simm.s32 $0xD000;
	v3 =	vadd.s32 v1, v3  }
0x54: {  	[tilespmem:s20], [sflag:$0x2] =	stream.indirect_vreg.gather [hbm4b:s10+s3], $0x80, v4, vm0, $0xb8;
	[tilespmem:$0x12000] =	vst v63  }
0x55: {  	s21 =	simm.s32 $0xD800  }
0x56: {  	[tilespmem:s21], [sflag:$0x2] =	stream.indirect_vreg.gather [hbm4b:s11+s3], $0x80, v4, vm0, $0xb8;
	[tilespmem:$0x12000] =	vst v63  }
0x57: {  	s22 =	simm.s32 $0xE000  }
0x58: {  	[tilespmem:s22], [sflag:$0x2] =	stream.indirect_vreg.gather [hbm4b:s2+s3], $0x80, v3, vm0, $0xb8;
	[tilespmem:$0x12000] =	vst v63  }
0x59: {  	s23 =	simm.s32 $0xE800  }
0x5a: {  	[tilespmem:s23], [sflag:$0x2] =	stream.indirect_vreg.gather [hbm4b:s5+s3], $0x80, v3, vm0, $0xb8;
	[tilespmem:$0x12000] =	vst v63  }
0x5b: {  	s0 =	simm.s32 $0x0;
	s1 =	rddreg [dreg:$0x8];
	s24 =	simm.s32 $0xF000  }
0x5c: {  	[tilespmem:s24], [sflag:$0x2] =	stream.indirect_vreg.gather [hbm4b:s6+s3], $0x80, v3, vm0, $0xb8;
	[tilespmem:$0x12000] =	vst v63  }
0x5d: {  	s14 =	simm.s32 $0x3000;
	s26 =	simm.s32 $0x10000;
	s25 =	simm.s32 $0xF800  }
0x5e: {  	[tilespmem:s25], [sflag:$0x2] =	stream.indirect_vreg.gather [hbm4b:s7+s3], $0x80, v3, vm0, $0xb8;
	[tilespmem:$0x12000] =	vst v63  }
0x5f: {  	s4 =	simm.s32 $0x11000;
	s28 =	simm.s32 $0x9000;
	s16 =	simm.s32 $0x4000  }
0x60: {  	[tilespmem:s26], [sflag:$0x2] =	stream.indirect_vreg.gather [hbm4b:s8+s3], $0x80, v3, vm0, $0xb8;
	[tilespmem:$0x12000] =	vst v63  }
0x61: {  	s18 =	simm.s32 $0x11800;
	s19 =	simm.s32 $0x5000;
	s24 =	simm.s32 $0x10800  }
0x62: {  	[tilespmem:s24], [sflag:$0x2] =	stream.indirect_vreg.gather [hbm4b:s9+s3], $0x80, v3, vm0, $0xb8;
	[tilespmem:$0x12000] =	vst v63  }
0x63: {  	s20 =	simm.s32 $0xA800;
	s21 =	simm.s32 $0x6000;
	s22 =	simm.s32 $0x6800  }
0x64: {  	[tilespmem:s4], [sflag:$0x2] =	stream.indirect_vreg.gather [hbm4b:s10+s3], $0x80, v3, vm0, $0xb8;
	[tilespmem:$0x12000] =	vst v63  }
0x65: {  	s23 =	simm.s32 $0x7000;
	s25 =	simm.s32 $0x8000;
	s26 =	simm.s32 $0x8800  }
0x66: {  	[tilespmem:s18], [sflag:$0x2] =	stream.indirect_vreg.gather [hbm4b:s11+s3], $0x80, v3, vm0, $0xb8;
	[tilespmem:$0x12000] =	vst v63  }
.LBB2_2:
0x67: {  	_ =	swait.ge [sflag:s29], $0x8000  }
0x68: {  	[sflag:s29] =	ssyncset.done $0x0  }
0x69: {  	s12 =	sadd.s32 $0xFFFFF000, s1;
	s17 =	simm.s32 $0x2000;
	[sflag:s29] =	ssyncadd.s32 $0xFFFF8000  }
0x6a: {  	[hbm4b:s12+s3] =	stream.linear.scatter [tilespmem:s17], [sflag:$0x3], $0x8000, $0x38;
	[tilespmem:$0x12000] =	vst v63  }
0x6b: {  	_ =	swait.ge [sflag:s30], $0x8000  }
0x6c: {  	[sflag:s30] =	ssyncset.done $0x0  }
0x6d: {  	s12 =	sshra.s32 s0, $0x2;
	[sflag:s30] =	ssyncadd.s32 $0xFFFF8000  }
0x6e: {  	v3 =	vld [tilespmem:s12+$0x100];
	_ =	sdelay $0x4  }
0x6f: {  	v4 =	vshll.u32 v3, $0x4  }
0x70: {  	v3 =	vand.u32 $0x7, v3;
	v4 =	vand.u32 $0xFFFFFF80, v4  }
0x71: {  	v3 =	vor.u32 v3, v4  }
0x72: {  	v4 =	vperm.xlane v3, v0;
	_ =	sdelay $0x1  }
0x73: {  	v4 =	vadd.s32 v1, v4;
	_ =	sdelay $0x4  }
0x74: {  	[tilespmem:s17], [sflag:$0x1] =	stream.indirect_vreg.gather [hbm4b:s2+s3], $0x80, v4, vm0, $0xb8;
	[tilespmem:$0x12000] =	vst v63  }
0x75: {  	s13 =	simm.s32 $0x2800  }
0x76: {  	[tilespmem:s13], [sflag:$0x1] =	stream.indirect_vreg.gather [hbm4b:s5+s3], $0x80, v4, vm0, $0xb8;
	[tilespmem:$0x12000] =	vst v63  }
0x77: {  	_ = 	snop  }
0x78: {  	[tilespmem:s14], [sflag:$0x1] =	stream.indirect_vreg.gather [hbm4b:s6+s3], $0x80, v4, vm0, $0xb8;
	[tilespmem:$0x12000] =	vst v63  }
0x79: {  	s17 =	simm.s32 $0x3800  }
0x7a: {  	[tilespmem:s17], [sflag:$0x1] =	stream.indirect_vreg.gather [hbm4b:s7+s3], $0x80, v4, vm0, $0xb8;
	[tilespmem:$0x12000] =	vst v63  }
0x7b: {  	_ = 	snop  }
0x7c: {  	[tilespmem:s16], [sflag:$0x1] =	stream.indirect_vreg.gather [hbm4b:s8+s3], $0x80, v4, vm0, $0xb8;
	[tilespmem:$0x12000] =	vst v63  }
0x7d: {  	v3 =	vperm.xlane v3, v2;
	s17 =	simm.s32 $0x4800  }
0x7e: {  	[tilespmem:s17], [sflag:$0x1] =	stream.indirect_vreg.gather [hbm4b:s9+s3], $0x80, v4, vm0, $0xb8;
	[tilespmem:$0x12000] =	vst v63  }
0x7f: {  	v3 =	vadd.s32 v1, v3  }
0x80: {  	[tilespmem:s19], [sflag:$0x1] =	stream.indirect_vreg.gather [hbm4b:s10+s3], $0x80, v4, vm0, $0xb8;
	[tilespmem:$0x12000] =	vst v63  }
0x81: {  	s17 =	simm.s32 $0x5800  }
0x82: {  	[tilespmem:s17], [sflag:$0x1] =	stream.indirect_vreg.gather [hbm4b:s11+s3], $0x80, v4, vm0, $0xb8;
	[tilespmem:$0x12000] =	vst v63  }
0x83: {  	_ = 	snop  }
0x84: {  	[tilespmem:s21], [sflag:$0x1] =	stream.indirect_vreg.gather [hbm4b:s2+s3], $0x80, v3, vm0, $0xb8;
	[tilespmem:$0x12000] =	vst v63  }
0x85: {  	_ = 	snop  }
0x86: {  	[tilespmem:s22], [sflag:$0x1] =	stream.indirect_vreg.gather [hbm4b:s5+s3], $0x80, v3, vm0, $0xb8;
	[tilespmem:$0x12000] =	vst v63  }
0x87: {  	_ = 	snop  }
0x88: {  	[tilespmem:s23], [sflag:$0x1] =	stream.indirect_vreg.gather [hbm4b:s6+s3], $0x80, v3, vm0, $0xb8;
	[tilespmem:$0x12000] =	vst v63  }
0x89: {  	s17 =	simm.s32 $0x7800  }
0x8a: {  	[tilespmem:s17], [sflag:$0x1] =	stream.indirect_vreg.gather [hbm4b:s7+s3], $0x80, v3, vm0, $0xb8;
	[tilespmem:$0x12000] =	vst v63  }
0x8b: {  	_ = 	snop  }
0x8c: {  	[tilespmem:s25], [sflag:$0x1] =	stream.indirect_vreg.gather [hbm4b:s8+s3], $0x80, v3, vm0, $0xb8;
	[tilespmem:$0x12000] =	vst v63  }
0x8d: {  	_ = 	snop  }
0x8e: {  	[tilespmem:s26], [sflag:$0x1] =	stream.indirect_vreg.gather [hbm4b:s9+s3], $0x80, v3, vm0, $0xb8;
	[tilespmem:$0x12000] =	vst v63  }
0x8f: {  	_ = 	snop  }
0x90: {  	[tilespmem:s28], [sflag:$0x1] =	stream.indirect_vreg.gather [hbm4b:s10+s3], $0x80, v3, vm0, $0xb8;
	[tilespmem:$0x12000] =	vst v63  }
0x91: {  	s17 =	simm.s32 $0x9800  }
0x92: {  	[tilespmem:s17], [sflag:$0x1] =	stream.indirect_vreg.gather [hbm4b:s11+s3], $0x80, v3, vm0, $0xb8;
	[tilespmem:$0x12000] =	vst v63  }
0x93: {  	_ =	swait.ge [sflag:s31], $0x8000  }
0x94: {  	[sflag:s31] =	ssyncset.done $0x0  }
0x95: {  	s13 =	simm.s32 $0xA000;
	[sflag:s31] =	ssyncadd.s32 $0xFFFF8000  }
0x96: {  	[hbm4b:s1+s3] =	stream.linear.scatter [tilespmem:s13], [sflag:$0x3], $0x8000, $0x38;
	[tilespmem:$0x12000] =	vst v63  }
0x97: {  	_ =	swait.ge [sflag:s30], $0x8000  }
0x98: {  	[sflag:s30] =	ssyncset.done $0x0  }
0x99: {  	[sflag:s30] =	ssyncadd.s32 $0xFFFF8000  }
0x9a: {  	v3 =	vld [tilespmem:s12+$0x180];
	_ =	sdelay $0x4  }
0x9b: {  	v63 =	vshll.u32 v3, $0x4  }
0x9c: {  	v3 =	vand.u32 $0x7, v3;
	v4 =	vand.u32 $0xFFFFFF80, v63  }
0x9d: {  	v3 =	vor.u32 v3, v4  }
0x9e: {  	v4 =	vperm.xlane v3, v0;
	_ =	sdelay $0x1  }
0x9f: {  	v4 =	vadd.s32 v1, v4;
	_ =	sdelay $0x4  }
0xa0: {  	[tilespmem:s13], [sflag:$0x2] =	stream.indirect_vreg.gather [hbm4b:s2+s3], $0x80, v4, vm0, $0xb8;
	[tilespmem:$0x12000] =	vst v63  }
0xa1: {  	_ = 	snop  }
0xa2: {  	[tilespmem:s20], [sflag:$0x2] =	stream.indirect_vreg.gather [hbm4b:s5+s3], $0x80, v4, vm0, $0xb8;
	[tilespmem:$0x12000] =	vst v63  }
0xa3: {  	s13 =	simm.s32 $0xB000  }
0xa4: {  	[tilespmem:s13], [sflag:$0x2] =	stream.indirect_vreg.gather [hbm4b:s6+s3], $0x80, v4, vm0, $0xb8;
	[tilespmem:$0x12000] =	vst v63  }
0xa5: {  	s13 =	simm.s32 $0xB800  }
0xa6: {  	[tilespmem:s13], [sflag:$0x2] =	stream.indirect_vreg.gather [hbm4b:s7+s3], $0x80, v4, vm0, $0xb8;
	[tilespmem:$0x12000] =	vst v63  }
0xa7: {  	s13 =	simm.s32 $0xC000  }
0xa8: {  	[tilespmem:s13], [sflag:$0x2] =	stream.indirect_vreg.gather [hbm4b:s8+s3], $0x80, v4, vm0, $0xb8;
	[tilespmem:$0x12000] =	vst v63  }
0xa9: {  	v3 =	vperm.xlane v3, v2;
	s13 =	simm.s32 $0xC800  }
0xaa: {  	[tilespmem:s13], [sflag:$0x2] =	stream.indirect_vreg.gather [hbm4b:s9+s3], $0x80, v4, vm0, $0xb8;
	[tilespmem:$0x12000] =	vst v63  }
0xab: {  	v3 =	vadd.s32 v1, v3;
	s13 =	simm.s32 $0xD000  }
0xac: {  	[tilespmem:s13], [sflag:$0x2] =	stream.indirect_vreg.gather [hbm4b:s10+s3], $0x80, v4, vm0, $0xb8;
	[tilespmem:$0x12000] =	vst v63  }
0xad: {  	s13 =	simm.s32 $0xD800  }
0xae: {  	[tilespmem:s13], [sflag:$0x2] =	stream.indirect_vreg.gather [hbm4b:s11+s3], $0x80, v4, vm0, $0xb8;
	[tilespmem:$0x12000] =	vst v63  }
0xaf: {  	s13 =	simm.s32 $0xE000  }
0xb0: {  	[tilespmem:s13], [sflag:$0x2] =	stream.indirect_vreg.gather [hbm4b:s2+s3], $0x80, v3, vm0, $0xb8;
	[tilespmem:$0x12000] =	vst v63  }
0xb1: {  	s13 =	simm.s32 $0xE800  }
0xb2: {  	[tilespmem:s13], [sflag:$0x2] =	stream.indirect_vreg.gather [hbm4b:s5+s3], $0x80, v3, vm0, $0xb8;
	[tilespmem:$0x12000] =	vst v63  }
0xb3: {  	s13 =	simm.s32 $0xF000  }
0xb4: {  	[tilespmem:s13], [sflag:$0x2] =	stream.indirect_vreg.gather [hbm4b:s6+s3], $0x80, v3, vm0, $0xb8;
	[tilespmem:$0x12000] =	vst v63  }
0xb5: {  	s13 =	simm.s32 $0xF800  }
0xb6: {  	[tilespmem:s13], [sflag:$0x2] =	stream.indirect_vreg.gather [hbm4b:s7+s3], $0x80, v3, vm0, $0xb8;
	[tilespmem:$0x12000] =	vst v63  }
0xb7: {  	s13 =	simm.s32 $0x10000  }
0xb8: {  	[tilespmem:s13], [sflag:$0x2] =	stream.indirect_vreg.gather [hbm4b:s8+s3], $0x80, v3, vm0, $0xb8;
	[tilespmem:$0x12000] =	vst v63  }
0xb9: {  	p0 =	sne.s32 s0, $0x7800  }
0xba: {  	[tilespmem:s24], [sflag:$0x2] =	stream.indirect_vreg.gather [hbm4b:s9+s3], $0x80, v3, vm0, $0xb8;
	[tilespmem:$0x12000] =	vst v63  }
.Ltmp0:
0xbb: {  	_ = 	snop;
	(pc) =	sbr.rel @p0 .LBB2_2-.Ltmp0, $4  }
0xbc: {  	s15 =	simm.s32 $0x2000  }
0xbd: {  	[tilespmem:s4], [sflag:$0x2] =	stream.indirect_vreg.gather [hbm4b:s10+s3], $0x80, v3, vm0, $0xb8;
	[tilespmem:$0x12000] =	vst v63  }
0xbe: {  	s0 =	sadd.s32 $0x400, s0;
	s17 =	simm.s32 $0xA000;
	s1 =	sadd.s32 $0x2000, s1  }
0xbf: {  	[tilespmem:s18], [sflag:$0x2] =	stream.indirect_vreg.gather [hbm4b:s11+s3], $0x80, v3, vm0, $0xb8;
	[tilespmem:$0x12000] =	vst v63  }
0xc0: {  	_ =	swait.ge [sflag:s29], $0x8000  }
0xc1: {  	[sflag:s29] =	ssyncset.done $0x0  }
0xc2: {  	s0 =	rddreg [dreg:$0x5];
	[sflag:s29] =	ssyncadd.s32 $0xFFFF8000  }
0xc3: {  	[hbm4b:s0+s3] =	stream.linear.scatter [tilespmem:s15], [sflag:$0x3], $0x8000, $0x38;
	[tilespmem:$0x12000] =	vst v63  }
0xc4: {  	_ =	swait.ge [sflag:s30], $0x8000  }
0xc5: {  	[sflag:s30] =	ssyncset.done $0x0  }
0xc6: {  	[sflag:s30] =	ssyncadd.s32 $0xFFFF8000  }
0xc7: {  	_ =	swait.ge [sflag:s31], $0x8000  }
0xc8: {  	[sflag:s31] =	ssyncset.done $0x0  }
0xc9: {  	s25 =	rddreg [dreg:$0x6];
	[sflag:s31] =	ssyncadd.s32 $0xFFFF8000  }
0xca: {  	[hbm4b:s25+s3] =	stream.linear.scatter [tilespmem:s17], [sflag:$0x3], $0x8000, $0x38;
	[tilespmem:$0x12000] =	vst v63  }
0xcb: {  	_ =	swait.ge [sflag:s30], $0x8000  }
0xcc: {  	s12 =	simm.s32 $0x3000;
	s13 =	simm.s32 $0x3800;
	s1 =	rddreg [dreg:$0x9]  }
0xcd: {  	s14 =	simm.s32 $0x4000;
	s26 =	rddreg [dreg:$0x7];
	s1 =	sadd.s32 $0x1, s1  }
0xce: {  	s16 =	simm.s32 $0x5000;
	s18 =	simm.s32 $0x5800;
	p0 =	sne.s32 s1, s26  }
.Ltmp1:
0xcf: {  	s19 =	simm.s32 $0x6000;
	s20 =	simm.s32 $0x6800;
	(pc) =	sbr.rel @p0 .LBB2_1-.Ltmp1, $4  }
0xd0: {  	s21 =	simm.s32 $0x7000;
	s22 =	simm.s32 $0x7800;
	s23 =	simm.s32 $0x8000  }
0xd1: {  	s24 =	simm.s32 $0x8800;
	s4 =	simm.s32 $0x9800;
	[sflag:s30] =	ssyncset.done $0x0  }
0xd2: {  	s28 =	simm.s32 $0xA800;
	s25 =	simm.s32 $0x9000;
	[sflag:s30] =	ssyncadd.s32 $0xFFFF8000  }
0xd3: {  	[dreg:$0x9] =	wrdreg s1;
	s1 =	simm.s32 $0x2800;
	s26 =	simm.s32 $0x4800  }
0xd4: {  	_ =	sfence.sel $0x180000  }
0xd5: {  	[bflag:$0x0] =	sbarrier.arrive $0xFFFF  }
0xd6: {  	_ =	strace $0x90000047  }
0xd7: {  	s0 =	stileid.u32;
	[bflag:$0x2] =	sbarrier.arrive $0xFFFF  }
0xd8: {  	p0 =	sne.s32 s0, $0x0;
	s0 =	rddreg [dreg:$0x3]  }
0xd9: {  	s0 =	sadd.s32 @!p0 $0x100000, s0  }
0xda: {  	[sflag:s0] =	ssyncadd.tile.s32 @!p0 $0x1;
	_ =	shalt  }
.Lfunc_end2:
_tile_overlayer_lowered:
.L_overlay_start_2:
0xdb: {  	(tag) =	ssettag $0x2  }
0xdc: {  	s0 =	rddreg [dreg:$0x0];
	s2 =	stileid.u32  }
0xdd: {  	s1 =	rddreg [dreg:$0x1];
	p0 =	sne.s32 s2, $0x0  }
0xde: {  	s3 =	rddreg [dreg:$0x2];
	[bflag:$0x3] =	sbarrier.arrive $0xFFFF;
	s2 =	simm.s32 @!p0 $0x1C04  }
0xdf: {  	[timem:s3], [sflag:s2] =	dma.local @!p0 [hbm:s0], s1  }
0xe0: {  	s0 =	simm.s32 @!p0 $0x4  }
0xe1: {  	_ =	swait.ge @!p0 [sflag:s0], s1  }
0xe2: {  	s1 =	ssub.s32 @!p0 $0x0, s1;
	[sflag:s0] =	ssyncset.done @!p0 $0x0  }
0xe3: {  	[sflag:s0] =	ssyncadd.s32 @!p0 s1  }
0xe4: {  	[bflag:$0x3] =	sbarrier.arrive $0xFFFF  }
0xe5: {  	_ =	shalt  }

</sc_bundles>
